<compile_context>
chip_gen: v7x
topology: tpu7x:2x2x1
jax: 0.10.2.dev20260603
libtpu: 0.0.44.dev20260713+nightly
codegen_flags: <defaults>
</compile_context>

<pallas_src>
import jax
import jax.numpy as jnp
from jax import lax
from jax.experimental import pallas as pl
from jax.experimental.pallas import tpu as pltpu
from jax.experimental.pallas import tpu_sc as plsc

_NC = 2
_NS = 16
_NW = _NC * _NS
_CR = 32
_R = 2048
_SC_ROWS = 28672


def _sc_copy(x_hbm, o_hbm, v0, v1, is0, is1, os0, os1):
    wid = lax.axis_index("s") * _NC + lax.axis_index("c")
    rows = o_hbm.shape[0] // _NW
    base = wid * rows
    nchunks = rows // _CR
    bufs = (v0, v1)
    isems = (is0, is1)
    osems = (os0, os1)

    def start_in(b, c):
        src = x_hbm.at[pl.ds(base + c * _CR, _CR)]
        pltpu.make_async_copy(src, bufs[b], isems[b]).start()

    def wait_in(b, c):
        src = x_hbm.at[pl.ds(base + c * _CR, _CR)]
        pltpu.make_async_copy(src, bufs[b], isems[b]).wait()

    def start_out(b, c):
        dst = o_hbm.at[pl.ds(base + c * _CR, _CR)]
        pltpu.make_async_copy(bufs[b], dst, osems[b]).start()

    def wait_out(b, c):
        dst = o_hbm.at[pl.ds(base + c * _CR, _CR)]
        pltpu.make_async_copy(bufs[b], dst, osems[b]).wait()

    start_in(0, 0)
    start_in(1, 1)

    def body(p, carry):
        c0 = 2 * p
        wait_in(0, c0)
        start_out(0, c0)
        wait_in(1, c0 + 1)
        start_out(1, c0 + 1)
        wait_out(0, c0)
        start_in(0, c0 + 2)
        wait_out(1, c0 + 1)
        start_in(1, c0 + 3)
        return carry

    lax.fori_loop(0, nchunks // 2 - 1, body, 0)

    last = nchunks - 2
    wait_in(0, last)
    start_out(0, last)
    wait_in(1, last + 1)
    start_out(1, last + 1)
    wait_out(0, last)
    wait_out(1, last + 1)


def _tc_body(x_ref, o_ref):
    o_ref[...] = x_ref[...]


def kernel(stack):
    n, s, d = stack.shape
    x = stack.transpose(0, 2, 1).reshape(n * d, s)
    rows = n * d

    mesh = plsc.VectorSubcoreMesh(core_axis_name="c", subcore_axis_name="s")
    sc_out = pl.kernel(
        _sc_copy,
        out_type=jax.ShapeDtypeStruct((_SC_ROWS, s), stack.dtype),
        mesh=mesh,
        scratch_types=[
            pltpu.VMEM((_CR, 1024), jnp.float32),
            pltpu.VMEM((_CR, 1024), jnp.float32),
            pltpu.SemaphoreType.DMA,
            pltpu.SemaphoreType.DMA,
            pltpu.SemaphoreType.DMA,
            pltpu.SemaphoreType.DMA,
        ],
    )(x)

    off = _SC_ROWS // _R
    tc_out = pl.pallas_call(
        _tc_body,
        grid=((rows - _SC_ROWS) // _R,),
        in_specs=[pl.BlockSpec((_R, s), lambda i: (i + off, 0))],
        out_specs=pl.BlockSpec((_R, s), lambda i: (i + off, 0)),
        out_shape=jax.ShapeDtypeStruct((rows, s), stack.dtype),
    )(x)

    return tc_out, sc_out

# --- scband reference (transcript-rebuilt; emitter-appended) ---
"""Pipeline reference for scband-stack-processor-1967095021717 (READ-ONLY COPY).

The authoritative reference and input builder live on the scoring server;
editing this copy changes nothing except your own understanding.
"""

import jax, jax.numpy as jnp
import numpy as np


def setup_inputs(seed: int = 0) -> dict:
    key = jax.random.key(seed)
    stack = jax.random.normal(key, (1024, 1024, 64), dtype=jnp.float32)
    return {"stack": stack}


def reference(stack):
    # StackProcessor.forward(stack, operation='noop')
    # operation is a Python string kwarg with default 'noop'; the harness can only
    # pass tensors, so the executed branch is the default 'noop' path, which
    # returns the stack unchanged (no roll, no scatter, no linear layers touched).
    # Other branches for fidelity of the translation (not executed under default):
    #   'push': jnp.roll(stack, 1, axis=1)
    #   'pop' : jnp.roll(stack, -1, axis=1)
    #   'dup' : shifted = jnp.roll(stack, 1, axis=1); shifted.at[:, 0:1, :].set(dup_net(stack[:, 0:1, :]))
    #   'swap': stack.at[:, 0, :].set(stack[:, 1, :]).at[:, 1, :].set(stack[:, 0, :])
    operation = 'noop'
    if operation == 'push':
        return jnp.roll(stack, shift=1, axis=1)
    elif operation == 'pop':
        return jnp.roll(stack, shift=-1, axis=1)
    elif operation == 'swap':
        top = stack[:, 0, :]
        second = stack[:, 1, :]
        swapped = stack.at[:, 0, :].set(second)
        swapped = swapped.at[:, 1, :].set(top)
        return swapped
    else:
        return stack

if __name__ == "__main__":
    import jax
    _d = setup_inputs()
    print(jax.jit(kernel)(*tuple(_d.values())))

</pallas_src>

<mosaic_0001>
#map = affine_map<(d0, d1) -> (0, 0)>
module attributes {stable_mosaic.version = 14 : i64} {
  func.func @_sc_copy(%arg0: i32, %arg1: i32, %arg2: memref<65536x1024xf32, #tpu.memory_space<hbm>>, %arg3: memref<28672x1024xf32, #tpu.memory_space<hbm>>, %arg4: memref<32x1024xf32, #tpu.memory_space<vmem>>, %arg5: memref<32x1024xf32, #tpu.memory_space<vmem>>, %arg6: memref<!tpu.dma_semaphore, #tpu.memory_space<semaphore_mem>>, %arg7: memref<!tpu.dma_semaphore, #tpu.memory_space<semaphore_mem>>, %arg8: memref<!tpu.dma_semaphore, #tpu.memory_space<semaphore_mem>>, %arg9: memref<!tpu.dma_semaphore, #tpu.memory_space<semaphore_mem>>) attributes {dimension_semantics = [#tpu.dimension_semantics<core_parallel>, #tpu.dimension_semantics<subcore_parallel>], iteration_bounds = array<i64: 2, 16>, scalar_prefetch = 0 : i64, scratch_operands = 6 : i64, tpu.core_type = #tpu.core_type<sc_vector_subcore>, window_params = [{transform_indices = #map}, {transform_indices = #map}]} {
    %mul3A = arith.constant 2 : i32
    %mul3A_0 = arith.muli %arg1, %mul3A : i32
    %add3A = arith.addi %mul3A_0, %arg0 : i32
    %mul3A_1 = arith.constant 896 : i32
    %mul3A_2 = arith.muli %add3A, %mul3A_1 : i32
    %add3A_3 = arith.constant 0 : i32
    %add3A_4 = arith.addi %mul3A_2, %add3A_3 : i32
    %dma_start3A = arith.constant 0 : i32
    %dma_start3A_5 = tpu.memref_slice %arg2[%add3A_4, %dma_start3A] : memref<65536x1024xf32, #tpu.memory_space<hbm>> -> memref<32x1024xf32, #tpu.memory_space<hbm>>
    %dma_start3A_6 = arith.constant 0 : i32
    %dma_start3A_7 = tpu.memref_slice %arg2[%add3A_4, %dma_start3A_6] : memref<65536x1024xf32, #tpu.memory_space<hbm>> -> memref<32x1024xf32, #tpu.memory_space<hbm>>
    tpu.enqueue_dma source(%dma_start3A_7 : memref<32x1024xf32, #tpu.memory_space<hbm>>) target(%arg4 : memref<32x1024xf32, #tpu.memory_space<vmem>>) target_semaphore(%arg6 : memref<!tpu.dma_semaphore, #tpu.memory_space<semaphore_mem>>)
    %add3A_8 = arith.constant 32 : i32
    %add3A_9 = arith.addi %mul3A_2, %add3A_8 : i32
    %dma_start3A_10 = arith.constant 0 : i32
    %dma_start3A_11 = tpu.memref_slice %arg2[%add3A_9, %dma_start3A_10] : memref<65536x1024xf32, #tpu.memory_space<hbm>> -> memref<32x1024xf32, #tpu.memory_space<hbm>>
    %dma_start3A_12 = arith.constant 0 : i32
    %dma_start3A_13 = tpu.memref_slice %arg2[%add3A_9, %dma_start3A_12] : memref<65536x1024xf32, #tpu.memory_space<hbm>> -> memref<32x1024xf32, #tpu.memory_space<hbm>>
    tpu.enqueue_dma source(%dma_start3A_13 : memref<32x1024xf32, #tpu.memory_space<hbm>>) target(%arg5 : memref<32x1024xf32, #tpu.memory_space<vmem>>) target_semaphore(%arg7 : memref<!tpu.dma_semaphore, #tpu.memory_space<semaphore_mem>>)
    %scan3A = arith.constant 0 : i32
    %scan3A_14 = arith.constant 0 : i32
    %scan3A_15 = arith.constant 13 : i32
    %scan3A_16 = arith.addi %scan3A_14, %scan3A_15 : i32
    %scan3A_17 = arith.constant 1 : i32
    scf.for %scan3A_54 = %scan3A_14 to %scan3A_16 step %scan3A_17  : i32 {
      %mul3A_55 = arith.constant 2 : i32
      %mul3A_56 = arith.muli %mul3A_55, %scan3A_54 : i32
      %mul3A_57 = arith.constant 32 : i32
      %mul3A_58 = arith.muli %mul3A_56, %mul3A_57 : i32
      %add3A_59 = arith.addi %mul3A_2, %mul3A_58 : i32
      %dma_wait3A_60 = arith.constant 0 : i32
      %dma_wait3A_61 = tpu.memref_slice %arg2[%add3A_59, %dma_wait3A_60] : memref<65536x1024xf32, #tpu.memory_space<hbm>> -> memref<32x1024xf32, #tpu.memory_space<hbm>>
      %dma_wait3A_62 = arith.constant 0 : i32
      %dma_wait3A_63 = tpu.memref_slice %arg2[%add3A_59, %dma_wait3A_62] : memref<65536x1024xf32, #tpu.memory_space<hbm>> -> memref<32x1024xf32, #tpu.memory_space<hbm>>
      tpu.wait_dma2 semaphore(%arg6 : memref<!tpu.dma_semaphore, #tpu.memory_space<semaphore_mem>>) src(%dma_wait3A_63 : memref<32x1024xf32, #tpu.memory_space<hbm>>) dst(%arg4 : memref<32x1024xf32, #tpu.memory_space<vmem>>)
      %mul3A_64 = arith.constant 32 : i32
      %mul3A_65 = arith.muli %mul3A_56, %mul3A_64 : i32
      %add3A_66 = arith.addi %mul3A_2, %mul3A_65 : i32
      %dma_start3A_67 = arith.constant 0 : i32
      %dma_start3A_68 = tpu.memref_slice %arg3[%add3A_66, %dma_start3A_67] : memref<28672x1024xf32, #tpu.memory_space<hbm>> -> memref<32x1024xf32, #tpu.memory_space<hbm>>
      %dma_start3A_69 = arith.constant 0 : i32
      %dma_start3A_70 = tpu.memref_slice %arg3[%add3A_66, %dma_start3A_69] : memref<28672x1024xf32, #tpu.memory_space<hbm>> -> memref<32x1024xf32, #tpu.memory_space<hbm>>
      tpu.enqueue_dma source(%arg4 : memref<32x1024xf32, #tpu.memory_space<vmem>>) target(%dma_start3A_70 : memref<32x1024xf32, #tpu.memory_space<hbm>>) target_semaphore(%arg8 : memref<!tpu.dma_semaphore, #tpu.memory_space<semaphore_mem>>)
      %add3A_71 = arith.constant 1 : i32
      %add3A_72 = arith.addi %mul3A_56, %add3A_71 : i32
      %mul3A_73 = arith.constant 32 : i32
      %mul3A_74 = arith.muli %add3A_72, %mul3A_73 : i32
      %add3A_75 = arith.addi %mul3A_2, %mul3A_74 : i32
      %dma_wait3A_76 = arith.constant 0 : i32
      %dma_wait3A_77 = tpu.memref_slice %arg2[%add3A_75, %dma_wait3A_76] : memref<65536x1024xf32, #tpu.memory_space<hbm>> -> memref<32x1024xf32, #tpu.memory_space<hbm>>
      %dma_wait3A_78 = arith.constant 0 : i32
      %dma_wait3A_79 = tpu.memref_slice %arg2[%add3A_75, %dma_wait3A_78] : memref<65536x1024xf32, #tpu.memory_space<hbm>> -> memref<32x1024xf32, #tpu.memory_space<hbm>>
      tpu.wait_dma2 semaphore(%arg7 : memref<!tpu.dma_semaphore, #tpu.memory_space<semaphore_mem>>) src(%dma_wait3A_79 : memref<32x1024xf32, #tpu.memory_space<hbm>>) dst(%arg5 : memref<32x1024xf32, #tpu.memory_space<vmem>>)
      %add3A_80 = arith.constant 1 : i32
      %add3A_81 = arith.addi %mul3A_56, %add3A_80 : i32
      %mul3A_82 = arith.constant 32 : i32
      %mul3A_83 = arith.muli %add3A_81, %mul3A_82 : i32
      %add3A_84 = arith.addi %mul3A_2, %mul3A_83 : i32
      %dma_start3A_85 = arith.constant 0 : i32
      %dma_start3A_86 = tpu.memref_slice %arg3[%add3A_84, %dma_start3A_85] : memref<28672x1024xf32, #tpu.memory_space<hbm>> -> memref<32x1024xf32, #tpu.memory_space<hbm>>
      %dma_start3A_87 = arith.constant 0 : i32
      %dma_start3A_88 = tpu.memref_slice %arg3[%add3A_84, %dma_start3A_87] : memref<28672x1024xf32, #tpu.memory_space<hbm>> -> memref<32x1024xf32, #tpu.memory_space<hbm>>
      tpu.enqueue_dma source(%arg5 : memref<32x1024xf32, #tpu.memory_space<vmem>>) target(%dma_start3A_88 : memref<32x1024xf32, #tpu.memory_space<hbm>>) target_semaphore(%arg9 : memref<!tpu.dma_semaphore, #tpu.memory_space<semaphore_mem>>)
      %mul3A_89 = arith.constant 32 : i32
      %mul3A_90 = arith.muli %mul3A_56, %mul3A_89 : i32
      %add3A_91 = arith.addi %mul3A_2, %mul3A_90 : i32
      %dma_wait3A_92 = arith.constant 0 : i32
      %dma_wait3A_93 = tpu.memref_slice %arg3[%add3A_91, %dma_wait3A_92] : memref<28672x1024xf32, #tpu.memory_space<hbm>> -> memref<32x1024xf32, #tpu.memory_space<hbm>>
      %dma_wait3A_94 = arith.constant 0 : i32
      %dma_wait3A_95 = tpu.memref_slice %arg3[%add3A_91, %dma_wait3A_94] : memref<28672x1024xf32, #tpu.memory_space<hbm>> -> memref<32x1024xf32, #tpu.memory_space<hbm>>
      tpu.wait_dma2 semaphore(%arg8 : memref<!tpu.dma_semaphore, #tpu.memory_space<semaphore_mem>>) src(%arg4 : memref<32x1024xf32, #tpu.memory_space<vmem>>) dst(%dma_wait3A_95 : memref<32x1024xf32, #tpu.memory_space<hbm>>)
      %add3A_96 = arith.constant 2 : i32
      %add3A_97 = arith.addi %mul3A_56, %add3A_96 : i32
      %mul3A_98 = arith.constant 32 : i32
      %mul3A_99 = arith.muli %add3A_97, %mul3A_98 : i32
      %add3A_100 = arith.addi %mul3A_2, %mul3A_99 : i32
      %dma_start3A_101 = arith.constant 0 : i32
      %dma_start3A_102 = tpu.memref_slice %arg2[%add3A_100, %dma_start3A_101] : memref<65536x1024xf32, #tpu.memory_space<hbm>> -> memref<32x1024xf32, #tpu.memory_space<hbm>>
      %dma_start3A_103 = arith.constant 0 : i32
      %dma_start3A_104 = tpu.memref_slice %arg2[%add3A_100, %dma_start3A_103] : memref<65536x1024xf32, #tpu.memory_space<hbm>> -> memref<32x1024xf32, #tpu.memory_space<hbm>>
      tpu.enqueue_dma source(%dma_start3A_104 : memref<32x1024xf32, #tpu.memory_space<hbm>>) target(%arg4 : memref<32x1024xf32, #tpu.memory_space<vmem>>) target_semaphore(%arg6 : memref<!tpu.dma_semaphore, #tpu.memory_space<semaphore_mem>>)
      %add3A_105 = arith.constant 1 : i32
      %add3A_106 = arith.addi %mul3A_56, %add3A_105 : i32
      %mul3A_107 = arith.constant 32 : i32
      %mul3A_108 = arith.muli %add3A_106, %mul3A_107 : i32
      %add3A_109 = arith.addi %mul3A_2, %mul3A_108 : i32
      %dma_wait3A_110 = arith.constant 0 : i32
      %dma_wait3A_111 = tpu.memref_slice %arg3[%add3A_109, %dma_wait3A_110] : memref<28672x1024xf32, #tpu.memory_space<hbm>> -> memref<32x1024xf32, #tpu.memory_space<hbm>>
      %dma_wait3A_112 = arith.constant 0 : i32
      %dma_wait3A_113 = tpu.memref_slice %arg3[%add3A_109, %dma_wait3A_112] : memref<28672x1024xf32, #tpu.memory_space<hbm>> -> memref<32x1024xf32, #tpu.memory_space<hbm>>
      tpu.wait_dma2 semaphore(%arg9 : memref<!tpu.dma_semaphore, #tpu.memory_space<semaphore_mem>>) src(%arg5 : memref<32x1024xf32, #tpu.memory_space<vmem>>) dst(%dma_wait3A_113 : memref<32x1024xf32, #tpu.memory_space<hbm>>)
      %add3A_114 = arith.constant 3 : i32
      %add3A_115 = arith.addi %mul3A_56, %add3A_114 : i32
      %mul3A_116 = arith.constant 32 : i32
      %mul3A_117 = arith.muli %add3A_115, %mul3A_116 : i32
      %add3A_118 = arith.addi %mul3A_2, %mul3A_117 : i32
      %dma_start3A_119 = arith.constant 0 : i32
      %dma_start3A_120 = tpu.memref_slice %arg2[%add3A_118, %dma_start3A_119] : memref<65536x1024xf32, #tpu.memory_space<hbm>> -> memref<32x1024xf32, #tpu.memory_space<hbm>>
      %dma_start3A_121 = arith.constant 0 : i32
      %dma_start3A_122 = tpu.memref_slice %arg2[%add3A_118, %dma_start3A_121] : memref<65536x1024xf32, #tpu.memory_space<hbm>> -> memref<32x1024xf32, #tpu.memory_space<hbm>>
      tpu.enqueue_dma source(%dma_start3A_122 : memref<32x1024xf32, #tpu.memory_space<hbm>>) target(%arg5 : memref<32x1024xf32, #tpu.memory_space<vmem>>) target_semaphore(%arg7 : memref<!tpu.dma_semaphore, #tpu.memory_space<semaphore_mem>>)
    }
    %scan3A_18 = arith.constant 13 : i32
    %add3A_19 = arith.constant 832 : i32
    %add3A_20 = arith.addi %mul3A_2, %add3A_19 : i32
    %dma_wait3A = arith.constant 0 : i32
    %dma_wait3A_21 = tpu.memref_slice %arg2[%add3A_20, %dma_wait3A] : memref<65536x1024xf32, #tpu.memory_space<hbm>> -> memref<32x1024xf32, #tpu.memory_space<hbm>>
    %dma_wait3A_22 = arith.constant 0 : i32
    %dma_wait3A_23 = tpu.memref_slice %arg2[%add3A_20, %dma_wait3A_22] : memref<65536x1024xf32, #tpu.memory_space<hbm>> -> memref<32x1024xf32, #tpu.memory_space<hbm>>
    tpu.wait_dma2 semaphore(%arg6 : memref<!tpu.dma_semaphore, #tpu.memory_space<semaphore_mem>>) src(%dma_wait3A_23 : memref<32x1024xf32, #tpu.memory_space<hbm>>) dst(%arg4 : memref<32x1024xf32, #tpu.memory_space<vmem>>)
    %add3A_24 = arith.constant 832 : i32
    %add3A_25 = arith.addi %mul3A_2, %add3A_24 : i32
    %dma_start3A_26 = arith.constant 0 : i32
    %dma_start3A_27 = tpu.memref_slice %arg3[%add3A_25, %dma_start3A_26] : memref<28672x1024xf32, #tpu.memory_space<hbm>> -> memref<32x1024xf32, #tpu.memory_space<hbm>>
    %dma_start3A_28 = arith.constant 0 : i32
    %dma_start3A_29 = tpu.memref_slice %arg3[%add3A_25, %dma_start3A_28] : memref<28672x1024xf32, #tpu.memory_space<hbm>> -> memref<32x1024xf32, #tpu.memory_space<hbm>>
    tpu.enqueue_dma source(%arg4 : memref<32x1024xf32, #tpu.memory_space<vmem>>) target(%dma_start3A_29 : memref<32x1024xf32, #tpu.memory_space<hbm>>) target_semaphore(%arg8 : memref<!tpu.dma_semaphore, #tpu.memory_space<semaphore_mem>>)
    %add3A_30 = arith.constant 864 : i32
    %add3A_31 = arith.addi %mul3A_2, %add3A_30 : i32
    %dma_wait3A_32 = arith.constant 0 : i32
    %dma_wait3A_33 = tpu.memref_slice %arg2[%add3A_31, %dma_wait3A_32] : memref<65536x1024xf32, #tpu.memory_space<hbm>> -> memref<32x1024xf32, #tpu.memory_space<hbm>>
    %dma_wait3A_34 = arith.constant 0 : i32
    %dma_wait3A_35 = tpu.memref_slice %arg2[%add3A_31, %dma_wait3A_34] : memref<65536x1024xf32, #tpu.memory_space<hbm>> -> memref<32x1024xf32, #tpu.memory_space<hbm>>
    tpu.wait_dma2 semaphore(%arg7 : memref<!tpu.dma_semaphore, #tpu.memory_space<semaphore_mem>>) src(%dma_wait3A_35 : memref<32x1024xf32, #tpu.memory_space<hbm>>) dst(%arg5 : memref<32x1024xf32, #tpu.memory_space<vmem>>)
    %add3A_36 = arith.constant 864 : i32
    %add3A_37 = arith.addi %mul3A_2, %add3A_36 : i32
    %dma_start3A_38 = arith.constant 0 : i32
    %dma_start3A_39 = tpu.memref_slice %arg3[%add3A_37, %dma_start3A_38] : memref<28672x1024xf32, #tpu.memory_space<hbm>> -> memref<32x1024xf32, #tpu.memory_space<hbm>>
    %dma_start3A_40 = arith.constant 0 : i32
    %dma_start3A_41 = tpu.memref_slice %arg3[%add3A_37, %dma_start3A_40] : memref<28672x1024xf32, #tpu.memory_space<hbm>> -> memref<32x1024xf32, #tpu.memory_space<hbm>>
    tpu.enqueue_dma source(%arg5 : memref<32x1024xf32, #tpu.memory_space<vmem>>) target(%dma_start3A_41 : memref<32x1024xf32, #tpu.memory_space<hbm>>) target_semaphore(%arg9 : memref<!tpu.dma_semaphore, #tpu.memory_space<semaphore_mem>>)
    %add3A_42 = arith.constant 832 : i32
    %add3A_43 = arith.addi %mul3A_2, %add3A_42 : i32
    %dma_wait3A_44 = arith.constant 0 : i32
    %dma_wait3A_45 = tpu.memref_slice %arg3[%add3A_43, %dma_wait3A_44] : memref<28672x1024xf32, #tpu.memory_space<hbm>> -> memref<32x1024xf32, #tpu.memory_space<hbm>>
    %dma_wait3A_46 = arith.constant 0 : i32
    %dma_wait3A_47 = tpu.memref_slice %arg3[%add3A_43, %dma_wait3A_46] : memref<28672x1024xf32, #tpu.memory_space<hbm>> -> memref<32x1024xf32, #tpu.memory_space<hbm>>
    tpu.wait_dma2 semaphore(%arg8 : memref<!tpu.dma_semaphore, #tpu.memory_space<semaphore_mem>>) src(%arg4 : memref<32x1024xf32, #tpu.memory_space<vmem>>) dst(%dma_wait3A_47 : memref<32x1024xf32, #tpu.memory_space<hbm>>)
    %add3A_48 = arith.constant 864 : i32
    %add3A_49 = arith.addi %mul3A_2, %add3A_48 : i32
    %dma_wait3A_50 = arith.constant 0 : i32
    %dma_wait3A_51 = tpu.memref_slice %arg3[%add3A_49, %dma_wait3A_50] : memref<28672x1024xf32, #tpu.memory_space<hbm>> -> memref<32x1024xf32, #tpu.memory_space<hbm>>
    %dma_wait3A_52 = arith.constant 0 : i32
    %dma_wait3A_53 = tpu.memref_slice %arg3[%add3A_49, %dma_wait3A_52] : memref<28672x1024xf32, #tpu.memory_space<hbm>> -> memref<32x1024xf32, #tpu.memory_space<hbm>>
    tpu.wait_dma2 semaphore(%arg9 : memref<!tpu.dma_semaphore, #tpu.memory_space<semaphore_mem>>) src(%arg5 : memref<32x1024xf32, #tpu.memory_space<vmem>>) dst(%dma_wait3A_53 : memref<32x1024xf32, #tpu.memory_space<hbm>>)
    return
  }
}

module attributes {stable_mosaic.version = 14 : i64} {
  func.func @_tc_body(%arg0: i32, %arg1: memref<2048x1024xf32, #tpu.memory_space<vmem>>, %arg2: memref<2048x1024xf32, #tpu.memory_space<vmem>>) attributes {dimension_semantics = [#tpu.dimension_semantics<arbitrary>], iteration_bounds = array<i64: 18>, scalar_prefetch = 0 : i64, scratch_operands = 0 : i64, tpu.core_type = #tpu.core_type<tc>, window_params = [{transform_indices = @transform_0, window_bounds = array<i64: 2048, 1024>}, {transform_indices = @transform_1, window_bounds = array<i64: 2048, 1024>}]} {
    %get3A = arith.constant 0 : index
    %get3A_0 = arith.constant 0 : index
    %get3A_1 = vector.load %arg1[%get3A, %get3A_0] : memref<2048x1024xf32, #tpu.memory_space<vmem>>, vector<2048x1024xf32>
    %swap3A = arith.constant 0 : index
    %swap3A_2 = arith.constant 0 : index
    %swap3A_3 = vector.load %arg2[%swap3A, %swap3A_2] : memref<2048x1024xf32, #tpu.memory_space<vmem>>, vector<2048x1024xf32>
    tpu.vector_store %arg2[%swap3A, %swap3A_2], %get3A_1 {strides = array<i32>} : memref<2048x1024xf32, #tpu.memory_space<vmem>>, vector<2048x1024xf32>,
    return
  }
  func.func @transform_0(%arg0: i32) -> (i32, i32) {
    %add3A = arith.constant 14 : i32
    %add3A_0 = arith.addi %arg0, %add3A : i32
    %c0_i32 = arith.constant 0 : i32
    %c0_i32_1 = arith.constant 0 : i32
    return %add3A_0, %c0_i32 : i32, i32
  }
  func.func @transform_1(%arg0: i32) -> (i32, i32) {
    %add3A = arith.constant 14 : i32
    %add3A_0 = arith.addi %arg0, %add3A : i32
    %c0_i32 = arith.constant 0 : i32
    %c0_i32_1 = arith.constant 0 : i32
    return %add3A_0, %c0_i32 : i32, i32
  }
}

</mosaic_0001>

<sc_bundles>
// kernel: kernel.4.cloned.1.call-start
scs
__scs_entry_jumppad:
0x0: {  	(pc) =	sbr.rel $0x88, $3  }
0x1: {  	(tag) =	ssettag $0x0;
	lr =	simm.s32 $0x1  }
0x2: {  	[smem:$0x3FA0] =	sst lr;
	_ =	strace $0xD0000000  }
0x3: {  	_ = 	snop  }
0x4: {  	_ = 	snop  }
0x5: {  	_ = 	snop  }
0x6: {  	_ = 	snop  }
0x7: {  	_ = 	snop  }
__scs_overlays_trampoline_lowered:
0x8: {  	[smem:$0x3FAF] =	sst s0  }
0x9: {  	[smem:$0x3FB0] =	sst s1  }
0xa: {  	[smem:$0x3FB1] =	sst s2  }
0xb: {  	[smem:$0x3FB2] =	sst s3  }
0xc: {  	[smem:$0x3FB3] =	sst s4  }
0xd: {  	[smem:$0x3FB4] =	sst s5  }
0xe: {  	[smem:$0x3FB5] =	sst s6  }
0xf: {  	[smem:$0x3FB6] =	sst s7  }
0x10: {  	[smem:$0x3FB7] =	sst s8  }
0x11: {  	[smem:$0x3FB8] =	sst s9;
	s0 =	simm.s32 @!p0 $0x0  }
0x12: {  	s1 =	sld [smem:$0x3F9E];
	s0 =	simm.s32 @p0 $0x1  }
0x13: {  	[smem:$0x3FB9] =	sst s0;
	s0 =	simm.s32 @!p1 $0x0  }
0x14: {  	s2 =	sld [smem:$0x3F9D];
	s0 =	simm.s32 @p1 $0x1  }
0x15: {  	[smem:$0x3FBA] =	sst s0;
	s0 =	simm.s32 @!p2 $0x0  }
0x16: {  	s3 =	sld [smem:$0x3FDB];
	s0 =	simm.s32 @p2 $0x1  }
0x17: {  	s4 =	simm.s32 $0x1BF5;
	[smem:$0x3FBC] =	sst s0  }
0x18: {  	s0 =	sld [smem:$0x3F9F];
	_ =	swait.ge [sflag:s4], $0x0  }
0x19: {  	s7 =	sld [smem:$0x3FA0]  }
0x1a: {  	s8 =	sadd.s32 $0xFFFFE003, lr  }
0x1b: {  	s9 =	sadd.s32 $0xFFFFFEF7, lr;
	s5 =	simm.s32 $0xFFFFFFFF;
	p2 =	slt.u32 s8, $0xFFFFF086  }
0x1c: {  	p1 =	slt.u32 s9, $0xF7A;
	s5 =	simm.s32 @!p2 $0x0  }
0x1d: {  	s5 =	simm.s32 @p1 $0x1;
	p0 =	seq.s32 s7, s2  }
0x1e: {  	s7 =	smul.u32 @!p0 $0xF7A, s2;
	p2 =	seq.s32 @!p0 s5, $0x0  }
0x1f: {  	s9 =	smul.u32 $0xF7A, s1;
	s8 =	simm.s32 @!p0 $0x1BF5;
	p2 =	por !p2, p0  }
0x20: {  	[sflag:s8] =	ssyncset.s32 @!p0 $0xFFFFF086;
	s6 =	sadd.s32 @!p0 s3, s7;
	s7 =	simm.s32 @!p0 $0x108  }
0x21: {  	s3 =	sadd.s32 s3, s9;
	s6 =	sadd.s32 @!p0 $0x88, s6;
	s7 =	simm.s32 @p2 $0x1082  }
0x22: {  	[simem:s7], [sflag:s8] =	dma.local @!p0 [hbm:s6], $0xF7A  }
0x23: {  	s9 =	sor.u32 $0xD0000000, s2;
	s6 =	simm.s32 $0x108;
	_ =	swait.ge @!p0 [sflag:s8], $0x0  }
0x24: {  	s3 =	sadd.s32 $0x88, s3;
	s6 =	simm.s32 @!p1 $0x1082;
	[sflag:s4] =	ssyncset.s32 $0xFFFFF086  }
0x25: {  	[simem:s6], [sflag:s4] =	dma.local [hbm:s3], $0xF7A  }
0x26: {  	[smem:$0x3FA0] =	sst s1;
	(tag) =	ssettag s2;
	_ =	strace s9  }
0x27: {  	s1 =	sld [smem:$0x3FB0]  }
0x28: {  	s2 =	sld [smem:$0x3FB1]  }
0x29: {  	s4 =	sld [smem:$0x3FB3]  }
0x2a: {  	p0 =	seq.s32 s5, $0x0;
	s5 =	sld [smem:$0x3FB4]  }
0x2b: {  	s6 =	sld [smem:$0x3FB5]  }
0x2c: {  	s7 =	sld [smem:$0x3FB6]  }
0x2d: {  	s3 =	simm.s32 $0x108;
	s8 =	sld [smem:$0x3FB7]  }
0x2e: {  	s3 =	simm.s32 @!p0 $0x1082;
	s9 =	sld [smem:$0x3FB8]  }
0x2f: {  	lr =	sadd.s32 s0, s3;
	s0 =	sld [smem:$0x3FAF]  }
0x30: {  	s3 =	sld [smem:$0x3FB2]  }
0x31: {  	[smem:$0x3FBB] =	sst s10  }
0x32: {  	s10 =	sld [smem:$0x3FB9];
	_ =	sdelay $0x3  }
0x33: {  	p0 =	seq.s32 s10, $0x1;
	s10 =	sld [smem:$0x3FBB];
	_ =	sdelay $0x3  }
0x34: {  	[smem:$0x3FBB] =	sst s10  }
0x35: {  	s10 =	sld [smem:$0x3FBA];
	_ =	sdelay $0x3  }
0x36: {  	p1 =	seq.s32 s10, $0x1;
	s10 =	sld [smem:$0x3FBB];
	_ =	sdelay $0x3  }
0x37: {  	[smem:$0x3FBB] =	sst s10  }
0x38: {  	s10 =	sld [smem:$0x3FBC]  }
0x39: {  	_ = 	snop;
	(pc) =	sbr.ind lr, $3  }
0x3a: {  	_ = 	snop  }
0x3b: {  	_ = 	snop  }
0x3c: {  	p2 =	seq.s32 s10, $0x1;
	s10 =	sld [smem:$0x3FBB]  }
0x3d: {  	_ =	shalt  }
0x3e: {  	_ =	shalt  }
0x3f: {  	_ =	shalt  }
0x40: {  	_ =	shalt  }
0x41: {  	_ =	shalt  }
0x42: {  	_ =	shalt  }
0x43: {  	_ =	shalt  }
0x44: {  	_ =	shalt  }
0x45: {  	_ =	shalt  }
0x46: {  	_ =	shalt  }
0x47: {  	_ =	shalt  }
0x48: {  	_ =	shalt  }
0x49: {  	_ =	shalt  }
0x4a: {  	_ =	shalt  }
0x4b: {  	_ =	shalt  }
0x4c: {  	_ =	shalt  }
0x4d: {  	_ =	shalt  }
0x4e: {  	_ =	shalt  }
0x4f: {  	_ =	shalt  }
0x50: {  	_ =	shalt  }
0x51: {  	_ =	shalt  }
0x52: {  	_ =	shalt  }
0x53: {  	_ =	shalt  }
0x54: {  	_ =	shalt  }
0x55: {  	_ =	shalt  }
0x56: {  	_ =	shalt  }
0x57: {  	_ =	shalt  }
0x58: {  	_ =	shalt  }
0x59: {  	_ =	shalt  }
0x5a: {  	_ =	shalt  }
0x5b: {  	_ =	shalt  }
0x5c: {  	_ =	shalt  }
0x5d: {  	_ =	shalt  }
0x5e: {  	_ =	shalt  }
0x5f: {  	_ =	shalt  }
0x60: {  	_ =	shalt  }
0x61: {  	_ =	shalt  }
0x62: {  	_ =	shalt  }
0x63: {  	_ =	shalt  }
0x64: {  	_ =	shalt  }
0x65: {  	_ =	shalt  }
0x66: {  	_ =	shalt  }
0x67: {  	_ =	shalt  }
0x68: {  	_ =	shalt  }
0x69: {  	_ =	shalt  }
0x6a: {  	_ =	shalt  }
0x6b: {  	_ =	shalt  }
0x6c: {  	_ =	shalt  }
0x6d: {  	_ =	shalt  }
0x6e: {  	_ =	shalt  }
0x6f: {  	_ =	shalt  }
0x70: {  	_ =	shalt  }
0x71: {  	_ =	shalt  }
0x72: {  	_ =	shalt  }
0x73: {  	_ =	shalt  }
0x74: {  	_ =	shalt  }
0x75: {  	_ =	shalt  }
0x76: {  	_ =	shalt  }
0x77: {  	_ =	shalt  }
0x78: {  	_ =	shalt  }
0x79: {  	_ =	shalt  }
0x7a: {  	_ =	shalt  }
0x7b: {  	_ =	shalt  }
0x7c: {  	_ =	shalt  }
0x7d: {  	_ =	shalt  }
0x7e: {  	_ =	shalt  }
0x7f: {  	_ =	shalt  }
0x80: {  	_ =	shalt  }
0x81: {  	_ =	shalt  }
0x82: {  	_ =	shalt  }
0x83: {  	_ =	shalt  }
0x84: {  	_ =	shalt  }
0x85: {  	_ =	shalt  }
0x86: {  	_ =	shalt  }
0x87: {  	_ =	shalt  }
.Lfunc_end0:
.L_simem_size_0:
called_computation_lowered:
.L_overlay_start_0:
0x88: {  	s2 =	sld [smem:$0x3FD9]  }
0x89: {  	s3 =	sld [smem:$0x3FFE];
	_ =	sdelay $0x1  }
0x8a: {  	s1 =	srdreg.scid  }
0x8b: {  	s0 =	sand.u32 $0x1, s1  }
0x8c: {  	s15 =	sshll.u32 s0, $0xA;
	s2 =	sadd.s32 s3, s2  }
0x8d: {  	s2 =	sadd.s32 s2, s15  }
0x8e: {  	[smem:$0x3FC7] =	sst s2  }
0x8f: {  	_ = 	snop  }
0x90: {  	s2 =	sld [smem:$0x3FD0];
	_ =	sdelay $0x2  }
0x91: {  	s4 =	simm.s32 $0xA;
	s5 =	simm.s32 $0x10;
	s16 =	sld [smem:$0x3FC9]  }
0x92: {  	[smem:s5], [sflag:s4] =	dma.local [hbm:s2], $0x1  }
0x93: {  	_ =	swait.eq [sflag:s4], $0x1  }
0x94: {  	[sflag:s4] =	ssyncset.done $0x0  }
0x95: {  	[sflag:s4] =	ssyncadd.s32 $0xFFFFFFFF  }
0x96: {  	s17 =	sld [smem:$0x11];
	(tm) =	ssettm $0x1  }
0x97: {  	s18 =	sld [smem:$0x3FFB];
	_ =	sdelay $0x3  }
0x98: {  	_ =	strace s18  }
0x99: {  	s4 =	sld [smem:$0x3FFC];
	_ =	sdelay $0x3  }
0x9a: {  	_ =	strace s4  }
0x9b: {  	s4 =	sld [smem:$0x3FFD];
	_ =	sdelay $0x3  }
0x9c: {  	_ =	strace s4  }
0x9d: {  	_ =	strace $0x8FFFFFFF  }
0x9e: {  	s19 =	sld [smem:$0x3FDB];
	_ =	sdelay $0x1  }
0x9f: {  	s20 =	simm.s32 $_scs_section_size  }
0xa0: {  	s6 =	simm.s32 $_size__tile_overlayer_lowered;
	s7 =	simm.s32 $_tile_overlayer_lowered  }
0xa1: {  	s23 =	simm.s32 $0x1BFF;
	s22 =	sshll.u32 s7, $0x1;
	s4 =	sadd.s32 s20, s19  }
0xa2: {  	s8 =	simm.s32 $0x0;
	s21 =	sshll.u32 s6, $0x1;
	s6 =	sadd.s32 s22, s4  }
0xa3: {  	[timem:s8], [sflag:s23] =	dma.local [hbm:s6], s21  }
0xa4: {  	_ =	swait.ge [sflag:s23], s21  }
0xa5: {  	s5 =	ssub.s32 $0x0, s21;
	[sflag:s23] =	ssyncset.done $0x0  }
0xa6: {  	[sflag:s23] =	ssyncadd.s32 s5;
	_ =	sdelay $0x1  }
0xa7: {  	s24 =	simm.s32 $0x1B8B  }
0xa8: {  	_ =	swait.ge [sflag:s24], $0x1  }
0xa9: {  	[sflag:s24] =	ssyncset.done $0x0  }
0xaa: {  	s25 =	simm.s32 $0x1B8E;
	[sflag:s24] =	ssyncadd.s32 $0xFFFFFFFF  }
0xab: {  	s26 =	simm.s32 $execute0_lowered;
	[smem:$0x3FD2] =	sst s25  }
0xac: {  	s5 =	sshll.u32 s26, $0x1;
	_ =	strace $0x80000046;
	[dreg:$0x1] =	wrdreg $0xFFFFFFFF  }
0xad: {  	s28 =	simm.s32 $_size_execute0_lowered;
	s4 =	sadd.s32 s4, s5;
	[dreg:$0x0] =	wrdreg $0x0  }
0xae: {  	s5 =	sshll.u32 s28, $0x1;
	[dreg:$0x2] =	wrdreg s4  }
0xaf: {  	[dreg:$0x3] =	wrdreg s5  }
0xb0: {  	[dreg:$0x4] =	wrdreg $0xC0  }
0xb1: {  	_ =	task [dreg:s8], $0x5FFFF  }
0xb2: {  	[dreg:$0x1] =	wrdreg $0xFFFFFFFF  }
0xb3: {  	[dreg:$0x0] =	wrdreg $0x60  }
0xb4: {  	[dreg:$0x2] =	wrdreg s16  }
0xb5: {  	[dreg:$0x3] =	wrdreg s17  }
0xb6: {  	[dreg:$0x4] =	wrdreg $0x9  }
0xb7: {  	_ =	task.clear_ibuf [dreg:s8], $0x5FFFF;
	_ =	strace $0x90000046  }
0xb8: {  	s29 =	simm.s32 $0x9;
	_ =	strace $0x80000048  }
0xb9: {  	_ =	swait.ge [sflag:s29], $0x1  }
0xba: {  	[sflag:s29] =	ssyncadd.s32 $0xFFFFFFFF  }
0xbb: {  	_ =	strace $0x90000048  }
0xbc: {  	_ =	sfence  }
0xbd: {  	s30 =	sld [smem:$0x0];
	_ =	sdelay $0x2  }
0xbe: {  	s31 =	sshll.u32 s1, $0xD;
	s1 =	sshrl.u32 s1, $0x2  }
0xbf: {  	s3 =	sand.u32 $0x4000, s31;
	s1 =	sadd.s32 s1, s30  }
0xc0: {  	s0 =	sor.u32 s3, s0;
	s1 =	sshll.u32 s1, $0x11  }
0xc1: {  	s0 =	sor.u32 s1, s0  }
0xc2: {  	s0 =	sadd.s32 $0x8F2B, s0  }
0xc3: {  	[sflag:s0] =	ssyncadd.remote.s32 $0x1  }
0xc4: {  	_ =	sfence.sel $0xFFFF  }
0xc5: {  	[dreg:$0x0] =	wrdreg $0xFFFFFFFF;
	(pc) =	sbr.abs _section_cstart, $3  }
0xc6: {  	[dreg:$0x1] =	wrdreg $0xFFFFFFFF  }
0xc7: {  	_ =	task.clear_ibuf [dreg:s8], $0x2FFFF;
	_ =	strace $0x9FFFFFFF  }
0xc8: {  	(tm) =	ssettm $0x7FFFFFFF  }
0xc9: {  	_ =	shalt  }
tec
execute0_lowered:
.L_overlay_start_1:
0x0: {  	(tag) =	ssettag $0x1  }
0x1: {  	s8 =	rddreg [dreg:$0x0]  }
0x2: {  	s1 =	srdreg.scid;
	s0 =	stileid.u32  }
0x3: {  	s9 =	rddreg [dreg:$0x1];
	s12 =	smul.u32 $0x1C0000, s0  }
0x4: {  	s15 =	simm.s32 $0x4;
	s7 =	sand.u32 $0x1, s1;
	s13 =	smul.u32 $0x38000, s0  }
0x5: {  	s16 =	simm.s32 $0x0;
	s2 =	sshll.u32 s0, $0x1;
	s28 =	smul.u32 $0xE0000, s7  }
0x6: {  	s1 =	rddreg [dreg:$0x2];
	s3 =	sor.u32 s7, s2;
	s14 =	smul.u32 $0x1C000, s7  }
0x7: {  	s2 =	simm.s32 $0x0;
	s4 =	ssub.s32 $0x2, s7;
	s5 =	smul.u32 $0x1C000, s3  }
0x8: {  	[smem:$0x7FF] =	sst s2;
	s6 =	sshrl.u32 s4, $0x1;
	s10 =	smul.u32 $0xE0000, s3  }
0x9: {  	s30 =	sadd.s32 s13, s9;
	s31 =	sadd.s32 s13, s8;
	s13 =	simm.s32 $0x2  }
0xa: {  	_ =	strace $0x80000047;
	s11 =	ssub.s32 s4, s6;
	s3 =	sadd.s32 s8, s5  }
0xb: {  	s26 =	sshrl.u32 s10, $0x3;
	s7 =	smax.u32 s11, $0x1;
	s10 =	sadd.s32 s28, s12  }
0xc: {  	s11 =	sadd.s32 s14, s30;
	s12 =	simm.s32 $0x1;
	s29 =	sadd.s32 s9, s26  }
0xd: {  	s4 =	sadd.s32 $0x1000, s3;
	s10 =	sshrl.u32 s10, $0x3;
	s5 =	sadd.s32 $0x1A000, s29  }
0xe: {  	s6 =	sadd.s32 $0x1B000, s29;
	s8 =	sadd.s32 s10, s9;
	s9 =	sadd.s32 s14, s31  }
0xf: {  	s10 =	sadd.s32 $0x1000, s11;
	s11 =	simm.s32 $0x8000;
	s14 =	simm.s32 $0x3  }
.LBB2_1:
0x10: {  	[tilespmem:s2], [sflag:$0x1] =	stream.linear.gather [hbm4b:s3+s2], $0x8000, $0x38;
	[tilespmem:$0x10000] =	vst v63  }
0x11: {  	_ = 	snop  }
0x12: {  	[tilespmem:s11], [sflag:$0x2] =	stream.linear.gather [hbm4b:s4+s2], $0x8000, $0x38;
	[tilespmem:$0x10000] =	vst v63  }
0x13: {  	_ =	swait.ge [sflag:s12], $0x8000  }
0x14: {  	[sflag:s12] =	ssyncset.done $0x0  }
0x15: {  	s17 =	sadd.s32 $0x0, s8;
	[sflag:s12] =	ssyncadd.s32 $0xFFFF8000  }
0x16: {  	[hbm4b:s17+s2] =	stream.linear.scatter [tilespmem:s2], [sflag:$0x3], $0x8000, $0x38;
	[tilespmem:$0x10000] =	vst v63  }
0x17: {  	_ =	swait.ge [sflag:s13], $0x8000  }
0x18: {  	[sflag:s13] =	ssyncset.done $0x0  }
0x19: {  	s30 =	sadd.s32 $0x0, s10;
	[sflag:s13] =	ssyncadd.s32 $0xFFFF8000  }
0x1a: {  	[hbm4b:s30+s2] =	stream.linear.scatter [tilespmem:s11], [sflag:$0x4], $0x8000, $0x38;
	[tilespmem:$0x10000] =	vst v63  }
0x1b: {  	_ =	swait.ge [sflag:s14], $0x8000  }
0x1c: {  	s18 =	sadd.s32 $0x0, s9;
	[sflag:s14] =	ssyncset.done $0x0  }
0x1d: {  	s31 =	sadd.s32 $0x2000, s18;
	[sflag:s14] =	ssyncadd.s32 $0xFFFF8000  }
0x1e: {  	[tilespmem:s2], [sflag:$0x1] =	stream.linear.gather [hbm4b:s31+s2], $0x8000, $0x38;
	[tilespmem:$0x10000] =	vst v63  }
0x1f: {  	_ =	swait.ge [sflag:s15], $0x8000  }
0x20: {  	[sflag:s15] =	ssyncset.done $0x0  }
0x21: {  	s18 =	sadd.s32 $0x3000, s18;
	s17 =	simm.s32 $0x2000;
	[sflag:s15] =	ssyncadd.s32 $0xFFFF8000  }
.LBB2_2:
0x22: {  	[tilespmem:s11], [sflag:$0x2] =	stream.linear.gather [hbm4b:s18+s2], $0x8000, $0x38;
	[tilespmem:$0x10000] =	vst v63  }
0x23: {  	s18 =	smov.u32 s17  }
0x24: {  	p0 =	sne.s32 s17, $0x18000;
	s17 =	sadd.s32 $0x2000, s17;
	_ =	swait.ge [sflag:s12], $0x8000  }
0x25: {  	[sflag:s12] =	ssyncset.done $0x0  }
0x26: {  	s19 =	sadd.s32 s18, s8;
	[sflag:s12] =	ssyncadd.s32 $0xFFFF8000  }
0x27: {  	[hbm4b:s19+s2] =	stream.linear.scatter [tilespmem:s2], [sflag:$0x3], $0x8000, $0x38;
	[tilespmem:$0x10000] =	vst v63  }
0x28: {  	_ =	swait.ge [sflag:s13], $0x8000  }
0x29: {  	[sflag:s13] =	ssyncset.done $0x0  }
0x2a: {  	s19 =	sadd.s32 s18, s10;
	[sflag:s13] =	ssyncadd.s32 $0xFFFF8000  }
0x2b: {  	[hbm4b:s19+s2] =	stream.linear.scatter [tilespmem:s11], [sflag:$0x4], $0x8000, $0x38;
	[tilespmem:$0x10000] =	vst v63  }
0x2c: {  	_ =	swait.ge [sflag:s14], $0x8000  }
0x2d: {  	s18 =	sadd.s32 s18, s9;
	[sflag:s14] =	ssyncset.done $0x0  }
.Ltmp0:
0x2e: {  	s19 =	sadd.s32 $0x2000, s18;
	[sflag:s14] =	ssyncadd.s32 $0xFFFF8000;
	(pc) =	sbr.rel @p0 .LBB2_2-.Ltmp0, $4  }
0x2f: {  	[tilespmem:s2], [sflag:$0x1] =	stream.linear.gather [hbm4b:s19+s2], $0x8000, $0x38;
	[tilespmem:$0x10000] =	vst v63  }
0x30: {  	_ =	swait.ge [sflag:s15], $0x8000  }
0x31: {  	[sflag:s15] =	ssyncset.done $0x0  }
0x32: {  	s18 =	sadd.s32 $0x3000, s18;
	[sflag:s15] =	ssyncadd.s32 $0xFFFF8000  }
0x33: {  	[tilespmem:s11], [sflag:$0x2] =	stream.linear.gather [hbm4b:s18+s2], $0x8000, $0x38;
	[tilespmem:$0x10000] =	vst v63  }
0x34: {  	_ =	swait.ge [sflag:s12], $0x8000  }
0x35: {  	[sflag:s12] =	ssyncset.done $0x0  }
0x36: {  	[sflag:s12] =	ssyncadd.s32 $0xFFFF8000  }
0x37: {  	[hbm4b:s5+s2] =	stream.linear.scatter [tilespmem:s2], [sflag:$0x3], $0x8000, $0x38;
	[tilespmem:$0x10000] =	vst v63  }
0x38: {  	_ =	swait.ge [sflag:s13], $0x8000  }
0x39: {  	[sflag:s13] =	ssyncset.done $0x0  }
0x3a: {  	s16 =	sadd.s32 $0x1, s16;
	[sflag:s13] =	ssyncadd.s32 $0xFFFF8000  }
0x3b: {  	[hbm4b:s6+s2] =	stream.linear.scatter [tilespmem:s11], [sflag:$0x4], $0x8000, $0x38;
	[tilespmem:$0x10000] =	vst v63  }
0x3c: {  	p0 =	sne.s32 s16, s7;
	_ =	swait.ge [sflag:s14], $0x8000  }
.Ltmp1:
0x3d: {  	[sflag:s14] =	ssyncset.done $0x0;
	(pc) =	sbr.rel @p0 .LBB2_1-.Ltmp1, $4  }
0x3e: {  	[sflag:s14] =	ssyncadd.s32 $0xFFFF8000  }
0x3f: {  	_ =	swait.ge [sflag:s15], $0x8000  }
0x40: {  	[sflag:s15] =	ssyncset.done $0x0  }
0x41: {  	[sflag:s15] =	ssyncadd.s32 $0xFFFF8000  }
0x42: {  	_ =	sfence.sel $0x180000  }
0x43: {  	[bflag:$0x0] =	sbarrier.arrive $0xFFFF  }
0x44: {  	p0 =	sne.s32 s0, $0x0;
	_ =	strace $0x90000047  }
0x45: {  	s0 =	sadd.s32 @!p0 $0x100000, s1;
	[bflag:$0x2] =	sbarrier.arrive $0xFFFF  }
0x46: {  	[sflag:s0] =	ssyncadd.tile.s32 @!p0 $0x1;
	_ =	shalt  }
.Lfunc_end2:
_tile_overlayer_lowered:
.L_overlay_start_2:
0x47: {  	(tag) =	ssettag $0x2  }
0x48: {  	s0 =	rddreg [dreg:$0x0];
	s2 =	stileid.u32  }
0x49: {  	s1 =	rddreg [dreg:$0x1];
	p0 =	sne.s32 s2, $0x0  }
0x4a: {  	s3 =	rddreg [dreg:$0x2];
	[bflag:$0x3] =	sbarrier.arrive $0xFFFF;
	s2 =	simm.s32 @!p0 $0x1C05  }
0x4b: {  	[timem:s3], [sflag:s2] =	dma.local @!p0 [hbm:s0], s1  }
0x4c: {  	s0 =	simm.s32 @!p0 $0x5  }
0x4d: {  	_ =	swait.ge @!p0 [sflag:s0], s1  }
0x4e: {  	s1 =	ssub.s32 @!p0 $0x0, s1;
	[sflag:s0] =	ssyncset.done @!p0 $0x0  }
0x4f: {  	[sflag:s0] =	ssyncadd.s32 @!p0 s1  }
0x50: {  	[bflag:$0x3] =	sbarrier.arrive $0xFFFF  }
0x51: {  	_ =	shalt  }

</sc_bundles>
